<compile_context>
chip_gen: v7x
topology: tpu7x:2x2x1
jax: 0.10.2.dev20260603
libtpu: 0.0.44.dev20260713+nightly
codegen_flags: <defaults>
</compile_context>

<pallas_src>
import numpy as np
import jax
import jax.numpy as jnp
from jax.experimental import pallas as pl

N_NODES = 8128
N_DIM = 1024
NH = 128
NUM_K = 4
N_DIA = 128
SLAB = 128
ROWS_PAD = 8192
MM_BLOCK = 256


def _build_layout():
    lengths = np.arange(N_DIA)
    starts = np.cumsum(lengths) - lengths
    slabs = []
    cur_start, cur_rows, cur_ds = 0, 0, []
    for d in range(N_DIA):
        L = int(lengths[d])
        if L == 0:
            continue
        if cur_ds and cur_rows + L > SLAB:
            slabs.append((cur_start, cur_ds))
            cur_ds, cur_rows = [], 0
        if not cur_ds:
            cur_start = int(starts[d])
        cur_ds.append(L)
        cur_rows += L
    if cur_ds:
        slabs.append((cur_start, cur_ds))
    n_slabs = len(slabs)
    s_pad = ((n_slabs + 7) // 8) * 8
    ids = np.full((s_pad, SLAB), -1, np.int32)
    norms = np.zeros((s_pad, SLAB), np.float32)
    pad_idx = np.full((s_pad * SLAB,), N_NODES, np.int32)
    unpad_idx = np.zeros((N_NODES,), np.int32)
    for s, (r0, ds) in enumerate(slabs):
        pos = 0
        for did, L in enumerate(ds):
            for _ in range(L):
                row = r0 + pos
                ids[s, pos] = did
                norms[s, pos] = 1.0 / max(L - 1, 1)
                pad_idx[s * SLAB + pos] = row
                unpad_idx[row] = s * SLAB + pos
                pos += 1
    return s_pad, ids, norms, pad_idx, unpad_idx


_S_PAD, _IDS, _NORMS, _PAD_IDX, _UNPAD_IDX = _build_layout()


def _mm_body(a_ref, w_ref, b_ref, o_ref):
    o_ref[...] = (
        jax.lax.dot_general(
            a_ref[...], w_ref[...], (((1,), (0,)), ((), ())),
            preferred_element_type=jnp.float32,
        )
        + b_ref[0:1, :]
    )


def _gcn_body(x_ref, ids_ref, nrm_ref, gw_ref, gb_ref, o_ref):
    s_pad = ids_ref.shape[0]
    X = x_ref[...].reshape(s_pad, SLAB, NH)
    ids = ids_ref[...]
    same = ids[:, :, None] == ids[:, None, :]
    ii = jax.lax.broadcasted_iota(jnp.int32, (s_pad, SLAB, SLAB), 1)
    jj = jax.lax.broadcasted_iota(jnp.int32, (s_pad, SLAB, SLAB), 2)
    mask = same & (ii != jj)
    nrm = nrm_ref[...]
    for kk in range(NUM_K):
        g1 = gw_ref[kk : kk + 1, :NH].reshape(1, 1, NH)
        g2 = gw_ref[kk : kk + 1, NH:].reshape(1, 1, NH)
        gb = gb_ref[kk : kk + 1, 0:1].reshape(1, 1, 1)
        s = jnp.sum(X * g1, axis=-1)
        t = jnp.sum(X * g2, axis=-1)
        A = jnp.tanh(s[:, :, None] + t[:, None, :] + gb)
        A = jnp.where(mask, A, 0.0) * nrm[:, :, None]
        msg = jax.lax.dot_general(
            A, X, (((2,), (1,)), ((0,), (0,))),
            preferred_element_type=jnp.float32,
        )
        X = X + msg
    o_ref[...] = X.reshape(s_pad * SLAB, NH)


def kernel(emotions_feat, dia_len, qmask, epoch, W1, b1, gateW, gateb):
    xin = jnp.pad(emotions_feat, ((0, ROWS_PAD - N_NODES), (0, 0)))
    wt = W1.T
    bpad = jnp.broadcast_to(b1[None, :], (8, NH))
    x1p = pl.pallas_call(
        _mm_body,
        grid=(ROWS_PAD // MM_BLOCK,),
        in_specs=[
            pl.BlockSpec((MM_BLOCK, N_DIM), lambda i: (i, 0)),
            pl.BlockSpec((N_DIM, NH), lambda i: (0, 0)),
            pl.BlockSpec((8, NH), lambda i: (0, 0)),
        ],
        out_specs=pl.BlockSpec((MM_BLOCK, NH), lambda i: (i, 0)),
        out_shape=jax.ShapeDtypeStruct((ROWS_PAD, NH), jnp.float32),
    )(xin, wt, bpad)
    x1 = x1p[:N_NODES]

    xp = jnp.take(x1, jnp.asarray(_PAD_IDX), axis=0, mode="fill", fill_value=0.0)
    gwp = jnp.pad(gateW.reshape(NUM_K, 2 * NH), ((0, 4), (0, 0)))
    gbp = jnp.pad(jnp.broadcast_to(gateb, (NUM_K, NH)), ((0, 4), (0, 0)))
    xout = pl.pallas_call(
        _gcn_body,
        out_shape=jax.ShapeDtypeStruct((_S_PAD * SLAB, NH), jnp.float32),
    )(xp, jnp.asarray(_IDS), jnp.asarray(_NORMS), gwp, gbp)
    gnn = jnp.take(xout, jnp.asarray(_UNPAD_IDX), axis=0)
    return jnp.concatenate([x1, gnn], axis=1)

# --- scband reference (transcript-rebuilt; emitter-appended) ---
"""Pipeline reference for scband-uni-gcn-17093969838443 (READ-ONLY COPY).

The authoritative reference and input builder live on the scoring server;
editing this copy changes nothing except your own understanding.
"""

import jax, jax.numpy as jnp
import numpy as np

N_NODES = 8128
N_DIM = 1024
NH = 128
NUM_K = 4
N_DIA = 128


def _build_edge_index(dia_len, dia_len_list):
    off = jnp.cumsum(dia_len) - dia_len
    pieces = []
    for i, L in enumerate(dia_len_list):
        if L <= 0:
            continue
        rel = np.arange(L)
        src_rel = np.repeat(rel, L)
        dst_rel = np.tile(rel, L)
        mask = src_rel != dst_rel
        src = off[i] + jnp.asarray(src_rel[mask])
        dst = off[i] + jnp.asarray(dst_rel[mask])
        pieces.append(jnp.stack([src, dst], axis=0))
    if pieces:
        e = jnp.concatenate(pieces, axis=1)
    else:
        e = jnp.zeros((2, 0), dtype=np.int64)
    return e


def _graph_gcn(x, edge_index, gW, gb):
    # PyG MessagePassing(aggr='add'), flow source_to_target:
    # row = edge_index[0] (source j), col = edge_index[1] (target i)
    row = edge_index[0]
    col = edge_index[1]
    n = x.shape[0]
    deg = jnp.zeros((n,), x.dtype).at[col].add(1.0)
    deg = jnp.clip(deg, 1.0, None)
    deg_inv_sqrt = deg ** -0.5
    norm = deg_inv_sqrt[row] * deg_inv_sqrt[col]
    x_i = x[col]
    x_j = x[row]
    h2 = jnp.concatenate([x_i, x_j], axis=1)
    alpha_g = jnp.tanh(h2 @ gW.T + gb)
    msg = norm[:, None] * x_j * alpha_g
    return jnp.zeros_like(x).at[col].add(msg)


def setup_inputs(seed: int = 0) -> dict:
    key = jax.random.key(seed)
    ks = jax.random.split(key, 8)
    emotions_feat = jax.random.normal(ks[0], (N_NODES, N_DIM), dtype=jnp.float32)
    dia_len = jnp.arange(N_DIA, dtype=jnp.int32)
    qmask = jax.random.uniform(ks[1], (N_DIA, N_DIA, 2), dtype=jnp.float32)
    epoch = 1
    W1 = jax.random.normal(ks[2], (NH, N_DIM), dtype=jnp.float32) * 0.02
    b1 = jnp.zeros((NH,), dtype=jnp.float32)
    gateW = jax.random.normal(ks[3], (NUM_K, 1, 2 * NH), dtype=jnp.float32) * 0.05
    gateb = jnp.zeros((NUM_K, 1), dtype=jnp.float32)
    return {"emotions_feat": emotions_feat, "dia_len": dia_len, "qmask": qmask,
            "epoch": epoch, "W1": W1, "b1": b1, "gateW": gateW, "gateb": gateb}


def reference(emotions_feat, dia_len, qmask, epoch, W1, b1, gateW, gateb):
    dlist = list(range(dia_len.shape[0]))
    # qmask reshuffle (dead code in original, kept for faithfulness)
    _qm = jnp.concatenate([qmask[:x, i, :] for i, x in enumerate(dlist)], axis=0)
    edge_index = _build_edge_index(dia_len, dlist)
    gnn_features = emotions_feat
    x1 = gnn_features @ W1.T + b1
    out = x1
    gnn_out = x1
    for kk in range(NUM_K):
        gnn_out = gnn_out + _graph_gcn(gnn_out, edge_index, gateW[kk], gateb[kk])
    out2 = jnp.concatenate([out, gnn_out], axis=1)
    return out2

if __name__ == "__main__":
    import jax
    _d = setup_inputs()
    print(jax.jit(kernel)(*tuple(_d.values())))

</pallas_src>

<mosaic_0001>
module attributes {stable_mosaic.version = 14 : i64} {
  func.func @_mm_body(%arg0: i32, %arg1: memref<256x1024xf32, #tpu.memory_space<vmem>>, %arg2: memref<1024x128xf32, #tpu.memory_space<vmem>>, %arg3: memref<8x128xf32, #tpu.memory_space<vmem>>, %arg4: memref<256x128xf32, #tpu.memory_space<vmem>>) attributes {dimension_semantics = [#tpu.dimension_semantics<arbitrary>], iteration_bounds = array<i64: 32>, scalar_prefetch = 0 : i64, scratch_operands = 0 : i64, tpu.core_type = #tpu.core_type<tc>, window_params = [{transform_indices = @transform_0, window_bounds = array<i64: 256, 1024>}, {pipeline_mode = #tpu.pipeline_mode<synchronous>, transform_indices = @transform_1, window_bounds = array<i64: 1024, 128>}, {pipeline_mode = #tpu.pipeline_mode<synchronous>, transform_indices = @transform_2, window_bounds = array<i64: 8, 128>}, {transform_indices = @transform_3, window_bounds = array<i64: 256, 128>}]} {
    %get3A = arith.constant 0 : index
    %get3A_0 = arith.constant 0 : index
    %get3A_1 = vector.load %arg1[%get3A, %get3A_0] : memref<256x1024xf32, #tpu.memory_space<vmem>>, vector<256x1024xf32>
    %get3A_2 = arith.constant 0 : index
    %get3A_3 = arith.constant 0 : index
    %get3A_4 = vector.load %arg2[%get3A_2, %get3A_3] : memref<1024x128xf32, #tpu.memory_space<vmem>>, vector<1024x128xf32>
    %dot_general3A = arith.constant dense<0.000000e+00> : vector<256x128xf32>
    %dot_general3A_5 = tpu.matmul %get3A_1, %get3A_4, %dot_general3A {dimension_numbers = #tpu.dot_dimension_numbers<[1], [0], [0], [1], [0, 0, 1, 1], [], []>, transpose_lhs_hint = false} : vector<256x1024xf32>, vector<1024x128xf32>, vector<256x128xf32> -> vector<256x128xf32>
    %get3A_6 = arith.constant 0 : index
    %get3A_7 = arith.constant 0 : index
    %get3A_8 = vector.load %arg3[%get3A_6, %get3A_7] : memref<8x128xf32, #tpu.memory_space<vmem>>, vector<1x128xf32>
    %add3A = vector.broadcast %get3A_8 : vector<1x128xf32> to vector<256x128xf32>
    %add3A_9 = arith.addf %dot_general3A_5, %add3A : vector<256x128xf32>
    %swap3A = arith.constant 0 : index
    %swap3A_10 = arith.constant 0 : index
    %swap3A_11 = vector.load %arg4[%swap3A, %swap3A_10] : memref<256x128xf32, #tpu.memory_space<vmem>>, vector<256x128xf32>
    tpu.vector_store %arg4[%swap3A, %swap3A_10], %add3A_9 {strides = array<i32>} : memref<256x128xf32, #tpu.memory_space<vmem>>, vector<256x128xf32>,
    return
  }
  func.func @transform_0(%arg0: i32) -> (i32, i32) {
    %c0_i32 = arith.constant 0 : i32
    %c0_i32_0 = arith.constant 0 : i32
    return %arg0, %c0_i32 : i32, i32
  }
  func.func @transform_1(%arg0: i32) -> (i32, i32) {
    %c0_i32 = arith.constant 0 : i32
    %c0_i32_0 = arith.constant 0 : i32
    %c0_i32_1 = arith.constant 0 : i32
    return %c0_i32, %c0_i32_0 : i32, i32
  }
  func.func @transform_2(%arg0: i32) -> (i32, i32) {
    %c0_i32 = arith.constant 0 : i32
    %c0_i32_0 = arith.constant 0 : i32
    %c0_i32_1 = arith.constant 0 : i32
    return %c0_i32, %c0_i32_0 : i32, i32
  }
  func.func @transform_3(%arg0: i32) -> (i32, i32) {
    %c0_i32 = arith.constant 0 : i32
    %c0_i32_0 = arith.constant 0 : i32
    return %arg0, %c0_i32 : i32, i32
  }
}

module attributes {stable_mosaic.version = 14 : i64} {
  func.func @_gcn_body(%arg0: memref<11264x128xf32, #tpu.memory_space<vmem>>, %arg1: memref<88x128xi32, #tpu.memory_space<vmem>>, %arg2: memref<88x128xf32, #tpu.memory_space<vmem>>, %arg3: memref<8x256xf32, #tpu.memory_space<vmem>>, %arg4: memref<8x128xf32, #tpu.memory_space<vmem>>, %arg5: memref<11264x128xf32, #tpu.memory_space<vmem>>) attributes {dimension_semantics = [], scalar_prefetch = 0 : i64, scratch_operands = 0 : i64, tpu.core_type = #tpu.core_type<tc>} {
    %get3A = arith.constant 0 : index
    %get3A_0 = arith.constant 0 : index
    %get3A_1 = vector.load %arg0[%get3A, %get3A_0] : memref<11264x128xf32, #tpu.memory_space<vmem>>, vector<11264x128xf32>
    %reshape3A = vector.shape_cast %get3A_1 : vector<11264x128xf32> to vector<88x128x128xf32>
    %get3A_2 = arith.constant 0 : index
    %get3A_3 = arith.constant 0 : index
    %get3A_4 = vector.load %arg1[%get3A_2, %get3A_3] : memref<88x128xi32, #tpu.memory_space<vmem>>, vector<88x128xi32>
    %broadcast_in_dim3A = vector.shape_cast %get3A_4 : vector<88x128xi32> to vector<88x128x1xi32>
    %broadcast_in_dim3A_5 = vector.shape_cast %get3A_4 : vector<88x128xi32> to vector<88x1x128xi32>
    %eq3A = vector.broadcast %broadcast_in_dim3A : vector<88x128x1xi32> to vector<88x128x128xi32>
    %eq3A_6 = vector.broadcast %broadcast_in_dim3A_5 : vector<88x1x128xi32> to vector<88x128x128xi32>
    %eq3A_7 = arith.cmpi eq, %eq3A, %eq3A_6 : vector<88x128x128xi32>
    %iota3A = tpu.iota {dimensions = array<i32: 1>} : vector<88x128x128xi32>
    %iota3A_8 = tpu.iota {dimensions = array<i32: 2>} : vector<88x128x128xi32>
    %ne3A = arith.cmpi ne, %iota3A, %iota3A_8 : vector<88x128x128xi32>
    %and3A = arith.andi %eq3A_7, %ne3A : vector<88x128x128xi1>
    %get3A_9 = arith.constant 0 : index
    %get3A_10 = arith.constant 0 : index
    %get3A_11 = vector.load %arg2[%get3A_9, %get3A_10] : memref<88x128xf32, #tpu.memory_space<vmem>>, vector<88x128xf32>
    %get3A_12 = arith.constant 0 : index
    %get3A_13 = arith.constant 0 : index
    %get3A_14 = vector.load %arg3[%get3A_12, %get3A_13] : memref<8x256xf32, #tpu.memory_space<vmem>>, vector<1x128xf32>
    %reshape3A_15 = vector.shape_cast %get3A_14 : vector<1x128xf32> to vector<1x1x128xf32>
    %get3A_16 = arith.constant 0 : index
    %get3A_17 = arith.constant 128 : index
    %get3A_18 = vector.load %arg3[%get3A_16, %get3A_17] : memref<8x256xf32, #tpu.memory_space<vmem>>, vector<1x128xf32>
    %reshape3A_19 = vector.shape_cast %get3A_18 : vector<1x128xf32> to vector<1x1x128xf32>
    %get3A_20 = arith.constant 0 : index
    %get3A_21 = arith.constant 0 : index
    %get3A_22 = vector.load %arg4[%get3A_20, %get3A_21] : memref<8x128xf32, #tpu.memory_space<vmem>>, vector<1x1xf32>
    %reshape3A_23 = vector.shape_cast %get3A_22 : vector<1x1xf32> to vector<1x1x1xf32>
    %mul3A = vector.broadcast %reshape3A_15 : vector<1x1x128xf32> to vector<88x128x128xf32>
    %mul3A_24 = arith.mulf %reshape3A, %mul3A : vector<88x128x128xf32>
    %reduce_sum3A = arith.constant dense<0.000000e+00> : vector<88x128xf32>
    %reduce_sum3A_25 = vector.multi_reduction <add>, %mul3A_24, %reduce_sum3A [2] : vector<88x128x128xf32> to vector<88x128xf32>
    %mul3A_26 = vector.broadcast %reshape3A_19 : vector<1x1x128xf32> to vector<88x128x128xf32>
    %mul3A_27 = arith.mulf %reshape3A, %mul3A_26 : vector<88x128x128xf32>
    %reduce_sum3A_28 = arith.constant dense<0.000000e+00> : vector<88x128xf32>
    %reduce_sum3A_29 = vector.multi_reduction <add>, %mul3A_27, %reduce_sum3A_28 [2] : vector<88x128x128xf32> to vector<88x128xf32>
    %broadcast_in_dim3A_30 = vector.shape_cast %reduce_sum3A_25 : vector<88x128xf32> to vector<88x128x1xf32>
    %broadcast_in_dim3A_31 = vector.shape_cast %reduce_sum3A_29 : vector<88x128xf32> to vector<88x1x128xf32>
    %add3A = vector.broadcast %broadcast_in_dim3A_30 : vector<88x128x1xf32> to vector<88x128x128xf32>
    %add3A_32 = vector.broadcast %broadcast_in_dim3A_31 : vector<88x1x128xf32> to vector<88x128x128xf32>
    %add3A_33 = arith.addf %add3A, %add3A_32 : vector<88x128x128xf32>
    %add3A_34 = vector.broadcast %reshape3A_23 : vector<1x1x1xf32> to vector<88x128x128xf32>
    %add3A_35 = arith.addf %add3A_33, %add3A_34 : vector<88x128x128xf32>
    %tanh3A = math.tanh %add3A_35 : vector<88x128x128xf32>
    %jit3A = arith.constant 0.000000e+00 : f32
    %broadcast_in_dim3A_36 = vector.broadcast %jit3A : f32 to vector<88x128x128xf32>
    %select_n3A = arith.select %and3A, %tanh3A, %broadcast_in_dim3A_36 : vector<88x128x128xi1>, vector<88x128x128xf32>
    %broadcast_in_dim3A_37 = vector.shape_cast %get3A_11 : vector<88x128xf32> to vector<88x128x1xf32>
    %mul3A_38 = vector.broadcast %broadcast_in_dim3A_37 : vector<88x128x1xf32> to vector<88x128x128xf32>
    %mul3A_39 = arith.mulf %select_n3A, %mul3A_38 : vector<88x128x128xf32>
    %dot_general3A = arith.constant dense<0.000000e+00> : vector<88x128x128xf32>
    %dot_general3A_40 = tpu.matmul %mul3A_39, %reshape3A, %dot_general3A {dimension_numbers = #tpu.dot_dimension_numbers<[2], [1], [1], [2], [0, 0, 0, 1, 1, 2], [0], [0]>, transpose_lhs_hint = false} : vector<88x128x128xf32>, vector<88x128x128xf32>, vector<88x128x128xf32> -> vector<88x128x128xf32>
    %add3A_41 = arith.addf %reshape3A, %dot_general3A_40 : vector<88x128x128xf32>
    %get3A_42 = arith.constant 1 : index
    %get3A_43 = arith.constant 0 : index
    %get3A_44 = vector.load %arg3[%get3A_42, %get3A_43] : memref<8x256xf32, #tpu.memory_space<vmem>>, vector<1x128xf32>
    %reshape3A_45 = vector.shape_cast %get3A_44 : vector<1x128xf32> to vector<1x1x128xf32>
    %get3A_46 = arith.constant 1 : index
    %get3A_47 = arith.constant 128 : index
    %get3A_48 = vector.load %arg3[%get3A_46, %get3A_47] : memref<8x256xf32, #tpu.memory_space<vmem>>, vector<1x128xf32>
    %reshape3A_49 = vector.shape_cast %get3A_48 : vector<1x128xf32> to vector<1x1x128xf32>
    %get3A_50 = arith.constant 1 : index
    %get3A_51 = arith.constant 0 : index
    %get3A_52 = vector.load %arg4[%get3A_50, %get3A_51] : memref<8x128xf32, #tpu.memory_space<vmem>>, vector<1x1xf32>
    %reshape3A_53 = vector.shape_cast %get3A_52 : vector<1x1xf32> to vector<1x1x1xf32>
    %mul3A_54 = vector.broadcast %reshape3A_45 : vector<1x1x128xf32> to vector<88x128x128xf32>
    %mul3A_55 = arith.mulf %add3A_41, %mul3A_54 : vector<88x128x128xf32>
    %reduce_sum3A_56 = arith.constant dense<0.000000e+00> : vector<88x128xf32>
    %reduce_sum3A_57 = vector.multi_reduction <add>, %mul3A_55, %reduce_sum3A_56 [2] : vector<88x128x128xf32> to vector<88x128xf32>
    %mul3A_58 = vector.broadcast %reshape3A_49 : vector<1x1x128xf32> to vector<88x128x128xf32>
    %mul3A_59 = arith.mulf %add3A_41, %mul3A_58 : vector<88x128x128xf32>
    %reduce_sum3A_60 = arith.constant dense<0.000000e+00> : vector<88x128xf32>
    %reduce_sum3A_61 = vector.multi_reduction <add>, %mul3A_59, %reduce_sum3A_60 [2] : vector<88x128x128xf32> to vector<88x128xf32>
    %broadcast_in_dim3A_62 = vector.shape_cast %reduce_sum3A_57 : vector<88x128xf32> to vector<88x128x1xf32>
    %broadcast_in_dim3A_63 = vector.shape_cast %reduce_sum3A_61 : vector<88x128xf32> to vector<88x1x128xf32>
    %add3A_64 = vector.broadcast %broadcast_in_dim3A_62 : vector<88x128x1xf32> to vector<88x128x128xf32>
    %add3A_65 = vector.broadcast %broadcast_in_dim3A_63 : vector<88x1x128xf32> to vector<88x128x128xf32>
    %add3A_66 = arith.addf %add3A_64, %add3A_65 : vector<88x128x128xf32>
    %add3A_67 = vector.broadcast %reshape3A_53 : vector<1x1x1xf32> to vector<88x128x128xf32>
    %add3A_68 = arith.addf %add3A_66, %add3A_67 : vector<88x128x128xf32>
    %tanh3A_69 = math.tanh %add3A_68 : vector<88x128x128xf32>
    %jit3A_70 = arith.constant 0.000000e+00 : f32
    %broadcast_in_dim3A_71 = vector.broadcast %jit3A_70 : f32 to vector<88x128x128xf32>
    %select_n3A_72 = arith.select %and3A, %tanh3A_69, %broadcast_in_dim3A_71 : vector<88x128x128xi1>, vector<88x128x128xf32>
    %broadcast_in_dim3A_73 = vector.shape_cast %get3A_11 : vector<88x128xf32> to vector<88x128x1xf32>
    %mul3A_74 = vector.broadcast %broadcast_in_dim3A_73 : vector<88x128x1xf32> to vector<88x128x128xf32>
    %mul3A_75 = arith.mulf %select_n3A_72, %mul3A_74 : vector<88x128x128xf32>
    %dot_general3A_76 = arith.constant dense<0.000000e+00> : vector<88x128x128xf32>
    %dot_general3A_77 = tpu.matmul %mul3A_75, %add3A_41, %dot_general3A_76 {dimension_numbers = #tpu.dot_dimension_numbers<[2], [1], [1], [2], [0, 0, 0, 1, 1, 2], [0], [0]>, transpose_lhs_hint = false} : vector<88x128x128xf32>, vector<88x128x128xf32>, vector<88x128x128xf32> -> vector<88x128x128xf32>
    %add3A_78 = arith.addf %add3A_41, %dot_general3A_77 : vector<88x128x128xf32>
    %get3A_79 = arith.constant 2 : index
    %get3A_80 = arith.constant 0 : index
    %get3A_81 = vector.load %arg3[%get3A_79, %get3A_80] : memref<8x256xf32, #tpu.memory_space<vmem>>, vector<1x128xf32>
    %reshape3A_82 = vector.shape_cast %get3A_81 : vector<1x128xf32> to vector<1x1x128xf32>
    %get3A_83 = arith.constant 2 : index
    %get3A_84 = arith.constant 128 : index
    %get3A_85 = vector.load %arg3[%get3A_83, %get3A_84] : memref<8x256xf32, #tpu.memory_space<vmem>>, vector<1x128xf32>
    %reshape3A_86 = vector.shape_cast %get3A_85 : vector<1x128xf32> to vector<1x1x128xf32>
    %get3A_87 = arith.constant 2 : index
    %get3A_88 = arith.constant 0 : index
    %get3A_89 = vector.load %arg4[%get3A_87, %get3A_88] : memref<8x128xf32, #tpu.memory_space<vmem>>, vector<1x1xf32>
    %reshape3A_90 = vector.shape_cast %get3A_89 : vector<1x1xf32> to vector<1x1x1xf32>
    %mul3A_91 = vector.broadcast %reshape3A_82 : vector<1x1x128xf32> to vector<88x128x128xf32>
    %mul3A_92 = arith.mulf %add3A_78, %mul3A_91 : vector<88x128x128xf32>
    %reduce_sum3A_93 = arith.constant dense<0.000000e+00> : vector<88x128xf32>
    %reduce_sum3A_94 = vector.multi_reduction <add>, %mul3A_92, %reduce_sum3A_93 [2] : vector<88x128x128xf32> to vector<88x128xf32>
    %mul3A_95 = vector.broadcast %reshape3A_86 : vector<1x1x128xf32> to vector<88x128x128xf32>
    %mul3A_96 = arith.mulf %add3A_78, %mul3A_95 : vector<88x128x128xf32>
    %reduce_sum3A_97 = arith.constant dense<0.000000e+00> : vector<88x128xf32>
    %reduce_sum3A_98 = vector.multi_reduction <add>, %mul3A_96, %reduce_sum3A_97 [2] : vector<88x128x128xf32> to vector<88x128xf32>
    %broadcast_in_dim3A_99 = vector.shape_cast %reduce_sum3A_94 : vector<88x128xf32> to vector<88x128x1xf32>
    %broadcast_in_dim3A_100 = vector.shape_cast %reduce_sum3A_98 : vector<88x128xf32> to vector<88x1x128xf32>
    %add3A_101 = vector.broadcast %broadcast_in_dim3A_99 : vector<88x128x1xf32> to vector<88x128x128xf32>
    %add3A_102 = vector.broadcast %broadcast_in_dim3A_100 : vector<88x1x128xf32> to vector<88x128x128xf32>
    %add3A_103 = arith.addf %add3A_101, %add3A_102 : vector<88x128x128xf32>
    %add3A_104 = vector.broadcast %reshape3A_90 : vector<1x1x1xf32> to vector<88x128x128xf32>
    %add3A_105 = arith.addf %add3A_103, %add3A_104 : vector<88x128x128xf32>
    %tanh3A_106 = math.tanh %add3A_105 : vector<88x128x128xf32>
    %jit3A_107 = arith.constant 0.000000e+00 : f32
    %broadcast_in_dim3A_108 = vector.broadcast %jit3A_107 : f32 to vector<88x128x128xf32>
    %select_n3A_109 = arith.select %and3A, %tanh3A_106, %broadcast_in_dim3A_108 : vector<88x128x128xi1>, vector<88x128x128xf32>
    %broadcast_in_dim3A_110 = vector.shape_cast %get3A_11 : vector<88x128xf32> to vector<88x128x1xf32>
    %mul3A_111 = vector.broadcast %broadcast_in_dim3A_110 : vector<88x128x1xf32> to vector<88x128x128xf32>
    %mul3A_112 = arith.mulf %select_n3A_109, %mul3A_111 : vector<88x128x128xf32>
    %dot_general3A_113 = arith.constant dense<0.000000e+00> : vector<88x128x128xf32>
    %dot_general3A_114 = tpu.matmul %mul3A_112, %add3A_78, %dot_general3A_113 {dimension_numbers = #tpu.dot_dimension_numbers<[2], [1], [1], [2], [0, 0, 0, 1, 1, 2], [0], [0]>, transpose_lhs_hint = false} : vector<88x128x128xf32>, vector<88x128x128xf32>, vector<88x128x128xf32> -> vector<88x128x128xf32>
    %add3A_115 = arith.addf %add3A_78, %dot_general3A_114 : vector<88x128x128xf32>
    %get3A_116 = arith.constant 3 : index
    %get3A_117 = arith.constant 0 : index
    %get3A_118 = vector.load %arg3[%get3A_116, %get3A_117] : memref<8x256xf32, #tpu.memory_space<vmem>>, vector<1x128xf32>
    %reshape3A_119 = vector.shape_cast %get3A_118 : vector<1x128xf32> to vector<1x1x128xf32>
    %get3A_120 = arith.constant 3 : index
    %get3A_121 = arith.constant 128 : index
    %get3A_122 = vector.load %arg3[%get3A_120, %get3A_121] : memref<8x256xf32, #tpu.memory_space<vmem>>, vector<1x128xf32>
    %reshape3A_123 = vector.shape_cast %get3A_122 : vector<1x128xf32> to vector<1x1x128xf32>
    %get3A_124 = arith.constant 3 : index
    %get3A_125 = arith.constant 0 : index
    %get3A_126 = vector.load %arg4[%get3A_124, %get3A_125] : memref<8x128xf32, #tpu.memory_space<vmem>>, vector<1x1xf32>
    %reshape3A_127 = vector.shape_cast %get3A_126 : vector<1x1xf32> to vector<1x1x1xf32>
    %mul3A_128 = vector.broadcast %reshape3A_119 : vector<1x1x128xf32> to vector<88x128x128xf32>
    %mul3A_129 = arith.mulf %add3A_115, %mul3A_128 : vector<88x128x128xf32>
    %reduce_sum3A_130 = arith.constant dense<0.000000e+00> : vector<88x128xf32>
    %reduce_sum3A_131 = vector.multi_reduction <add>, %mul3A_129, %reduce_sum3A_130 [2] : vector<88x128x128xf32> to vector<88x128xf32>
    %mul3A_132 = vector.broadcast %reshape3A_123 : vector<1x1x128xf32> to vector<88x128x128xf32>
    %mul3A_133 = arith.mulf %add3A_115, %mul3A_132 : vector<88x128x128xf32>
    %reduce_sum3A_134 = arith.constant dense<0.000000e+00> : vector<88x128xf32>
    %reduce_sum3A_135 = vector.multi_reduction <add>, %mul3A_133, %reduce_sum3A_134 [2] : vector<88x128x128xf32> to vector<88x128xf32>
    %broadcast_in_dim3A_136 = vector.shape_cast %reduce_sum3A_131 : vector<88x128xf32> to vector<88x128x1xf32>
    %broadcast_in_dim3A_137 = vector.shape_cast %reduce_sum3A_135 : vector<88x128xf32> to vector<88x1x128xf32>
    %add3A_138 = vector.broadcast %broadcast_in_dim3A_136 : vector<88x128x1xf32> to vector<88x128x128xf32>
    %add3A_139 = vector.broadcast %broadcast_in_dim3A_137 : vector<88x1x128xf32> to vector<88x128x128xf32>
    %add3A_140 = arith.addf %add3A_138, %add3A_139 : vector<88x128x128xf32>
    %add3A_141 = vector.broadcast %reshape3A_127 : vector<1x1x1xf32> to vector<88x128x128xf32>
    %add3A_142 = arith.addf %add3A_140, %add3A_141 : vector<88x128x128xf32>
    %tanh3A_143 = math.tanh %add3A_142 : vector<88x128x128xf32>
    %jit3A_144 = arith.constant 0.000000e+00 : f32
    %broadcast_in_dim3A_145 = vector.broadcast %jit3A_144 : f32 to vector<88x128x128xf32>
    %select_n3A_146 = arith.select %and3A, %tanh3A_143, %broadcast_in_dim3A_145 : vector<88x128x128xi1>, vector<88x128x128xf32>
    %broadcast_in_dim3A_147 = vector.shape_cast %get3A_11 : vector<88x128xf32> to vector<88x128x1xf32>
    %mul3A_148 = vector.broadcast %broadcast_in_dim3A_147 : vector<88x128x1xf32> to vector<88x128x128xf32>
    %mul3A_149 = arith.mulf %select_n3A_146, %mul3A_148 : vector<88x128x128xf32>
    %dot_general3A_150 = arith.constant dense<0.000000e+00> : vector<88x128x128xf32>
    %dot_general3A_151 = tpu.matmul %mul3A_149, %add3A_115, %dot_general3A_150 {dimension_numbers = #tpu.dot_dimension_numbers<[2], [1], [1], [2], [0, 0, 0, 1, 1, 2], [0], [0]>, transpose_lhs_hint = false} : vector<88x128x128xf32>, vector<88x128x128xf32>, vector<88x128x128xf32> -> vector<88x128x128xf32>
    %add3A_152 = arith.addf %add3A_115, %dot_general3A_151 : vector<88x128x128xf32>
    %reshape3A_153 = vector.shape_cast %add3A_152 : vector<88x128x128xf32> to vector<11264x128xf32>
    %swap3A = arith.constant 0 : index
    %swap3A_154 = arith.constant 0 : index
    %swap3A_155 = vector.load %arg5[%swap3A, %swap3A_154] : memref<11264x128xf32, #tpu.memory_space<vmem>>, vector<11264x128xf32>
    tpu.vector_store %arg5[%swap3A, %swap3A_154], %reshape3A_153 {strides = array<i32>} : memref<11264x128xf32, #tpu.memory_space<vmem>>, vector<11264x128xf32>,
    return
  }
}

</mosaic_0001>

<sc_bundles>
// kernel: gather_offload_async_start.1
scs
__scs_entry_jumppad:
0x0: {  	(pc) =	sbr.rel $0x88, $3  }
0x1: {  	(tag) =	ssettag $0x0;
	lr =	simm.s32 $0x1  }
0x2: {  	[smem:$0x3F9C] =	sst lr;
	_ =	strace $0xD0000000  }
0x3: {  	_ = 	snop  }
0x4: {  	_ = 	snop  }
0x5: {  	_ = 	snop  }
0x6: {  	_ = 	snop  }
0x7: {  	_ = 	snop  }
__scs_overlays_trampoline_lowered:
0x8: {  	[smem:$0x3FAB] =	sst s0  }
0x9: {  	[smem:$0x3FAC] =	sst s1  }
0xa: {  	[smem:$0x3FAD] =	sst s2  }
0xb: {  	[smem:$0x3FAE] =	sst s3  }
0xc: {  	[smem:$0x3FAF] =	sst s4  }
0xd: {  	[smem:$0x3FB0] =	sst s5  }
0xe: {  	[smem:$0x3FB1] =	sst s6  }
0xf: {  	[smem:$0x3FB2] =	sst s7  }
0x10: {  	[smem:$0x3FB3] =	sst s8  }
0x11: {  	[smem:$0x3FB4] =	sst s9;
	s0 =	simm.s32 @!p0 $0x0  }
0x12: {  	s1 =	sld [smem:$0x3F9A];
	s0 =	simm.s32 @p0 $0x1  }
0x13: {  	[smem:$0x3FB5] =	sst s0;
	s0 =	simm.s32 @!p1 $0x0  }
0x14: {  	s2 =	sld [smem:$0x3F99];
	s0 =	simm.s32 @p1 $0x1  }
0x15: {  	[smem:$0x3FB6] =	sst s0;
	s0 =	simm.s32 @!p2 $0x0  }
0x16: {  	s3 =	sld [smem:$0x3FDB];
	s0 =	simm.s32 @p2 $0x1  }
0x17: {  	s4 =	simm.s32 $0x1BF5;
	[smem:$0x3FB8] =	sst s0  }
0x18: {  	s0 =	sld [smem:$0x3F9B];
	_ =	swait.ge [sflag:s4], $0x0  }
0x19: {  	s7 =	sld [smem:$0x3F9C]  }
0x1a: {  	s8 =	sadd.s32 $0xFFFFE003, lr  }
0x1b: {  	s9 =	sadd.s32 $0xFFFFFEF7, lr;
	s5 =	simm.s32 $0xFFFFFFFF;
	p2 =	slt.u32 s8, $0xFFFFF086  }
0x1c: {  	p1 =	slt.u32 s9, $0xF7A;
	s5 =	simm.s32 @!p2 $0x0  }
0x1d: {  	s5 =	simm.s32 @p1 $0x1;
	p0 =	seq.s32 s7, s2  }
0x1e: {  	s7 =	smul.u32 @!p0 $0xF7A, s2;
	p2 =	seq.s32 @!p0 s5, $0x0  }
0x1f: {  	s9 =	smul.u32 $0xF7A, s1;
	s8 =	simm.s32 @!p0 $0x1BF5;
	p2 =	por !p2, p0  }
0x20: {  	[sflag:s8] =	ssyncset.s32 @!p0 $0xFFFFF086;
	s6 =	sadd.s32 @!p0 s3, s7;
	s7 =	simm.s32 @!p0 $0x108  }
0x21: {  	s3 =	sadd.s32 s3, s9;
	s6 =	sadd.s32 @!p0 $0x88, s6;
	s7 =	simm.s32 @p2 $0x1082  }
0x22: {  	[simem:s7], [sflag:s8] =	dma.local @!p0 [hbm:s6], $0xF7A  }
0x23: {  	s9 =	sor.u32 $0xD0000000, s2;
	s6 =	simm.s32 $0x108;
	_ =	swait.ge @!p0 [sflag:s8], $0x0  }
0x24: {  	s3 =	sadd.s32 $0x88, s3;
	s6 =	simm.s32 @!p1 $0x1082;
	[sflag:s4] =	ssyncset.s32 $0xFFFFF086  }
0x25: {  	[simem:s6], [sflag:s4] =	dma.local [hbm:s3], $0xF7A  }
0x26: {  	[smem:$0x3F9C] =	sst s1;
	(tag) =	ssettag s2;
	_ =	strace s9  }
0x27: {  	s1 =	sld [smem:$0x3FAC]  }
0x28: {  	s2 =	sld [smem:$0x3FAD]  }
0x29: {  	s4 =	sld [smem:$0x3FAF]  }
0x2a: {  	p0 =	seq.s32 s5, $0x0;
	s5 =	sld [smem:$0x3FB0]  }
0x2b: {  	s6 =	sld [smem:$0x3FB1]  }
0x2c: {  	s7 =	sld [smem:$0x3FB2]  }
0x2d: {  	s3 =	simm.s32 $0x108;
	s8 =	sld [smem:$0x3FB3]  }
0x2e: {  	s3 =	simm.s32 @!p0 $0x1082;
	s9 =	sld [smem:$0x3FB4]  }
0x2f: {  	lr =	sadd.s32 s0, s3;
	s0 =	sld [smem:$0x3FAB]  }
0x30: {  	s3 =	sld [smem:$0x3FAE]  }
0x31: {  	[smem:$0x3FB7] =	sst s10  }
0x32: {  	s10 =	sld [smem:$0x3FB5];
	_ =	sdelay $0x3  }
0x33: {  	p0 =	seq.s32 s10, $0x1;
	s10 =	sld [smem:$0x3FB7];
	_ =	sdelay $0x3  }
0x34: {  	[smem:$0x3FB7] =	sst s10  }
0x35: {  	s10 =	sld [smem:$0x3FB6];
	_ =	sdelay $0x3  }
0x36: {  	p1 =	seq.s32 s10, $0x1;
	s10 =	sld [smem:$0x3FB7];
	_ =	sdelay $0x3  }
0x37: {  	[smem:$0x3FB7] =	sst s10  }
0x38: {  	s10 =	sld [smem:$0x3FB8]  }
0x39: {  	_ = 	snop;
	(pc) =	sbr.ind lr, $3  }
0x3a: {  	_ = 	snop  }
0x3b: {  	_ = 	snop  }
0x3c: {  	p2 =	seq.s32 s10, $0x1;
	s10 =	sld [smem:$0x3FB7]  }
0x3d: {  	_ =	shalt  }
0x3e: {  	_ =	shalt  }
0x3f: {  	_ =	shalt  }
0x40: {  	_ =	shalt  }
0x41: {  	_ =	shalt  }
0x42: {  	_ =	shalt  }
0x43: {  	_ =	shalt  }
0x44: {  	_ =	shalt  }
0x45: {  	_ =	shalt  }
0x46: {  	_ =	shalt  }
0x47: {  	_ =	shalt  }
0x48: {  	_ =	shalt  }
0x49: {  	_ =	shalt  }
0x4a: {  	_ =	shalt  }
0x4b: {  	_ =	shalt  }
0x4c: {  	_ =	shalt  }
0x4d: {  	_ =	shalt  }
0x4e: {  	_ =	shalt  }
0x4f: {  	_ =	shalt  }
0x50: {  	_ =	shalt  }
0x51: {  	_ =	shalt  }
0x52: {  	_ =	shalt  }
0x53: {  	_ =	shalt  }
0x54: {  	_ =	shalt  }
0x55: {  	_ =	shalt  }
0x56: {  	_ =	shalt  }
0x57: {  	_ =	shalt  }
0x58: {  	_ =	shalt  }
0x59: {  	_ =	shalt  }
0x5a: {  	_ =	shalt  }
0x5b: {  	_ =	shalt  }
0x5c: {  	_ =	shalt  }
0x5d: {  	_ =	shalt  }
0x5e: {  	_ =	shalt  }
0x5f: {  	_ =	shalt  }
0x60: {  	_ =	shalt  }
0x61: {  	_ =	shalt  }
0x62: {  	_ =	shalt  }
0x63: {  	_ =	shalt  }
0x64: {  	_ =	shalt  }
0x65: {  	_ =	shalt  }
0x66: {  	_ =	shalt  }
0x67: {  	_ =	shalt  }
0x68: {  	_ =	shalt  }
0x69: {  	_ =	shalt  }
0x6a: {  	_ =	shalt  }
0x6b: {  	_ =	shalt  }
0x6c: {  	_ =	shalt  }
0x6d: {  	_ =	shalt  }
0x6e: {  	_ =	shalt  }
0x6f: {  	_ =	shalt  }
0x70: {  	_ =	shalt  }
0x71: {  	_ =	shalt  }
0x72: {  	_ =	shalt  }
0x73: {  	_ =	shalt  }
0x74: {  	_ =	shalt  }
0x75: {  	_ =	shalt  }
0x76: {  	_ =	shalt  }
0x77: {  	_ =	shalt  }
0x78: {  	_ =	shalt  }
0x79: {  	_ =	shalt  }
0x7a: {  	_ =	shalt  }
0x7b: {  	_ =	shalt  }
0x7c: {  	_ =	shalt  }
0x7d: {  	_ =	shalt  }
0x7e: {  	_ =	shalt  }
0x7f: {  	_ =	shalt  }
0x80: {  	_ =	shalt  }
0x81: {  	_ =	shalt  }
0x82: {  	_ =	shalt  }
0x83: {  	_ =	shalt  }
0x84: {  	_ =	shalt  }
0x85: {  	_ =	shalt  }
0x86: {  	_ =	shalt  }
0x87: {  	_ =	shalt  }
.Lfunc_end0:
.L_simem_size_0:
called_computation.1_lowered:
.L_overlay_start_0:
0x88: {  	s2 =	sld [smem:$0x3FD9]  }
0x89: {  	s3 =	sld [smem:$0x3FFE];
	_ =	sdelay $0x1  }
0x8a: {  	s1 =	srdreg.scid  }
0x8b: {  	s0 =	sand.u32 $0x1, s1  }
0x8c: {  	s17 =	sshll.u32 s0, $0xA;
	s2 =	sadd.s32 s3, s2  }
0x8d: {  	s2 =	sadd.s32 s2, s17  }
0x8e: {  	[smem:$0x3FC3] =	sst s2  }
0x8f: {  	_ = 	snop  }
0x90: {  	s2 =	sld [smem:$0x3FD0];
	(tm) =	ssettm $0x1  }
0x91: {  	s18 =	sld [smem:$0x3FFB];
	_ =	sdelay $0x3  }
0x92: {  	_ =	strace s18  }
0x93: {  	s3 =	sld [smem:$0x3FFC];
	_ =	sdelay $0x3  }
0x94: {  	_ =	strace s3  }
0x95: {  	s3 =	sld [smem:$0x3FFD];
	_ =	sdelay $0x3  }
0x96: {  	_ =	strace s3  }
0x97: {  	_ =	strace $0x8FFFFFFF  }
0x98: {  	s19 =	sld [smem:$0x3FDB];
	_ =	sdelay $0x1  }
0x99: {  	s4 =	simm.s32 $_scs_section_size  }
0x9a: {  	s5 =	simm.s32 $_size__tile_overlayer_lowered;
	s6 =	simm.s32 $_tile_overlayer_lowered  }
0x9b: {  	s22 =	simm.s32 $0x1BFF;
	s21 =	sshll.u32 s6, $0x1;
	s3 =	sadd.s32 s4, s19  }
0x9c: {  	s7 =	simm.s32 $0x0;
	s20 =	sshll.u32 s5, $0x1;
	s5 =	sadd.s32 s21, s3  }
0x9d: {  	[timem:s7], [sflag:s22] =	dma.local [hbm:s5], s20  }
0x9e: {  	_ =	swait.ge [sflag:s22], s20  }
0x9f: {  	s4 =	ssub.s32 $0x0, s20;
	[sflag:s22] =	ssyncset.done $0x0  }
0xa0: {  	[sflag:s22] =	ssyncadd.s32 s4;
	_ =	sdelay $0x1  }
0xa1: {  	s23 =	simm.s32 $0x1B8B  }
0xa2: {  	_ =	swait.ge [sflag:s23], $0x1  }
0xa3: {  	[sflag:s23] =	ssyncset.done $0x0  }
0xa4: {  	s25 =	simm.s32 $0x1B8E;
	s24 =	sld [smem:$0x3FFE];
	[sflag:s23] =	ssyncadd.s32 $0xFFFFFFFF  }
0xa5: {  	s26 =	simm.s32 $execute0_lowered;
	[smem:$0x3FD2] =	sst s25  }
0xa6: {  	s5 =	sshll.u32 s26, $0x1;
	_ =	strace $0x80000049;
	[dreg:$0x1] =	wrdreg $0xFFFFFFFF  }
0xa7: {  	s28 =	simm.s32 $_size_execute0_lowered;
	s3 =	sadd.s32 s3, s5;
	[dreg:$0x0] =	wrdreg $0x0  }
0xa8: {  	s5 =	sshll.u32 s28, $0x1;
	[dreg:$0x2] =	wrdreg s3  }
0xa9: {  	[dreg:$0x3] =	wrdreg s5  }
0xaa: {  	[dreg:$0x4] =	wrdreg $0xC0  }
0xab: {  	_ =	task [dreg:s7], $0x5FFFF  }
0xac: {  	[dreg:$0x1] =	wrdreg $0xFFFFFFFF  }
0xad: {  	[dreg:$0x0] =	wrdreg $0x60  }
0xae: {  	[dreg:$0x2] =	wrdreg s2  }
0xaf: {  	[dreg:$0x3] =	wrdreg s24  }
0xb0: {  	[dreg:$0x4] =	wrdreg $0x9  }
0xb1: {  	_ =	task.clear_ibuf [dreg:s7], $0x5FFFF;
	_ =	strace $0x90000049  }
0xb2: {  	s29 =	simm.s32 $0x9;
	_ =	strace $0x8000004B  }
0xb3: {  	_ =	swait.ge [sflag:s29], $0x1  }
0xb4: {  	[sflag:s29] =	ssyncadd.s32 $0xFFFFFFFF  }
0xb5: {  	_ =	strace $0x9000004B  }
0xb6: {  	_ =	sfence  }
0xb7: {  	s30 =	sld [smem:$0x0];
	_ =	sdelay $0x2  }
0xb8: {  	s31 =	sshll.u32 s1, $0xD;
	s1 =	sshrl.u32 s1, $0x2  }
0xb9: {  	s3 =	sand.u32 $0x4000, s31;
	s1 =	sadd.s32 s1, s30  }
0xba: {  	s0 =	sor.u32 s3, s0;
	s1 =	sshll.u32 s1, $0x11  }
0xbb: {  	s0 =	sor.u32 s1, s0  }
0xbc: {  	s0 =	sadd.s32 $0x8F2B, s0  }
0xbd: {  	[sflag:s0] =	ssyncadd.remote.s32 $0x1  }
0xbe: {  	_ =	sfence.sel $0xFFFF  }
0xbf: {  	[dreg:$0x0] =	wrdreg $0xFFFFFFFF;
	(pc) =	sbr.abs _section_cstart, $3  }
0xc0: {  	[dreg:$0x1] =	wrdreg $0xFFFFFFFF  }
0xc1: {  	_ =	task.clear_ibuf [dreg:s7], $0x2FFFF;
	_ =	strace $0x9FFFFFFF  }
0xc2: {  	(tm) =	ssettm $0x7FFFFFFF  }
0xc3: {  	_ =	shalt  }
tec
execute0_lowered:
.L_overlay_start_1:
0x0: {  	(tag) =	ssettag $0x1  }
0x1: {  	s0 =	srdreg.scid  }
0x2: {  	s1 =	sshll.u32 s0, $0x4  }
0x3: {  	s0 =	stileid.u32;
	s1 =	sand.u32 $0x10, s1  }
0x4: {  	s1 =	sor.u32 s0, s1  }
0x5: {  	s2 =	smul.u32 $0x7, s1  }
0x6: {  	s9 =	rddreg [dreg:$0x1];
	s6 =	simm.s32 $0x1;
	s3 =	smin.u32 s1, $0x1E  }
0x7: {  	p0 =	slt.u32 s1, $0x1E;
	s1 =	simm.s32 $0x100;
	s3 =	sadd.s32 s3, s2  }
0x8: {  	s7 =	simm.s32 $0x2;
	s1 =	simm.s32 @!p0 $0xE0;
	s3 =	sshll.u32 s3, $0x5  }
0x9: {  	s10 =	simm.s32 $0x3;
	s13 =	simm.s32 $0x0;
	s4 =	sadd.s32 s1, s3  }
0xa: {  	s12 =	simm.s32 $0x0;
	s5 =	sadd.s32 $0x21E00, s9;
	s4 =	smin.u32 s4, $0x1FC0  }
.Ltmp0:
0xb: {  	s2 =	rddreg [dreg:$0x0];
	s8 =	ssub.s32 s4, s3;
	(pc) =	sbr.rel .LBB2_1-.Ltmp0, $4  }
0xc: {  	s1 =	rddreg [dreg:$0x2];
	_ =	strace $0x8000004A;
	p0 =	sgt.s32 s8, $0x0  }
0xd: {  	s9 =	sadd.s32 $0x22200, s9;
	[sflag:s6] =	ssyncpa.u1 $0x0;
	s8 =	simm.s32 @!p0 $0x0  }
0xe: {  	s11 =	smov.u32 s3;
	[sflag:s7] =	ssyncpa.u1 $0x0;
	s8 =	sshrl.u32 s8, $0x5  }
0xf: {  	vm0 =	vmmov $0xff;
	vm1 =	vcmask $0x3F20;
	[sflag:s10] =	ssyncpa.u1 $0x0;
	p0 =	por $0x0, $0x0;
	s10 =	sadd.s32 $0x1, s8  }
.LBB2_6:
0x10: {  	[hbm:s17] =	stream.linear.scatter [tilespmem:s14], [sflag:$0x3], $0x400, $0x38;
	[tilespmem:$0x2040] =	vst v63  }
.LBB2_7:
0x11: {  	s13 =	sadd.s32 $0x20, s11  }
0x12: {  	s15 =	smov.u32 s3;
	p2 =	slt.s32 s13, s4  }
0x13: {  	s15 =	smov.u32 @p2 s13;
	p2 =	sne.s32 s12, s10  }
.Ltmp1:
0x14: {  	p1 =	slt.u32 s12, $0x2;
	(pc) =	sbr.rel @!p2 .LBB2_8-.Ltmp1, $4  }
0x15: {  	s14 =	simm.s32 @!p1 $0x3  }
0x16: {  	s16 =	sadd.s32 $0x1, s12;
	_ =	swait.ge @!p1 [sflag:s14], $0x1000  }
0x17: {  	p0 =	por !p0, !p0;
	s13 =	smov.u32 s11;
	[sflag:s14] =	ssyncset.done @!p1 $0x0  }
0x18: {  	s12 =	smov.u32 s16;
	s11 =	smov.u32 s15;
	[sflag:s14] =	ssyncadd.s32 @!p1 $0xFFFFF000  }
.LBB2_1:
0x19: {  	p1 =	sge.u32 s12, s8  }
0x1a: {  	s14 =	sxor.u32 @!p1 $0xFFFFFFFF, s12  }
0x1b: {  	s31 =	sadd.s32 $0xFFFFFFFF, s12;
	s15 =	sshrl.u32 @!p1 s11, $0x3;
	s14 =	sshll.u32 @!p1 s14, $0x5  }
0x1c: {  	s16 =	sand.u32 @!p1 $0x7, s11;
	s15 =	sadd.s32 @!p1 s5, s15;
	s14 =	sand.u32 @!p1 $0x20, s14  }
0x1d: {  	[tilespmem:s14], [sflag:$0x2] =	stream.linear.gather @!p1 [hbm4b:s15+s16], $0x20, $0x38;
	[tilespmem:$0x2040] =	vst v63  }
0x1e: {  	p1 =	sge.u32 s31, s8  }
.Ltmp2:
0x1f: {  	_ = 	snop;
	(pc) =	sbr.rel @p1 .LBB2_7-.Ltmp2, $1  }
0x20: {  	_ =	sdelay $0x3  }
0x21: {  	s14 =	simm.s32 $0x1  }
0x22: {  	_ =	swait.ge [sflag:s7], $0x20;
	s16 =	sand.u32 $0x1, s12;
	s17 =	simm.s32 $0x0  }
0x23: {  	p1 =	por $0x1, $0x1;
	s14 =	simm.s32 @!p0 $0x0;
	[sflag:s7] =	ssyncset.done $0x0  }
0x24: {  	s15 =	sshll.u32 s16, $0x5;
	s16 =	sshll.u32 s16, $0xC;
	s14 =	sshll.u32 s14, $0xC  }
0x25: {  	[sflag:s7] =	ssyncadd.s32 $0xFFFFFFE0;
	s16 =	sor.u32 $0x40, s16;
	s14 =	sor.u32 $0x40, s14  }
.LBB2_3:
0x26: {  	s18 =	sshll.u32 s17, $0x4  }
0x27: {  	s18 =	sand.u32 $0x3FFFFFF0, s18  }
0x28: {  	s18 =	sadd.s32 s18, s15  }
0x29: {  	v0 =	vld.msk [tilespmem:s18+$0x0 ss:$0x1], $0xffff;
	_ =	sdelay $0x4  }
0x2a: {  	vm2 =	vgt.s32 v0, $0x0  }
0x2b: {  	v0 =	vnsel vm2, $0x0, v0  }
0x2c: {  	v0 =	vmin.u32 v0, $0x2BFF  }
0x2d: {  	v0 =	vshll.u32 v0, $0x4;
	_ =	sdelay $0x1  }
0x2e: {  	s31 =	sshll.u32 s17, $0xB  }
0x2f: {  	p2 =	por p1, p1;
	s17 =	sand.u32 $0x3FFFF800, s31  }
.Ltmp3:
0x30: {  	s17 =	sadd.s32 s17, s16;
	(pc) =	sbr.rel @p2 .LBB2_3-.Ltmp3, $4  }
0x31: {  	[tilespmem:s17], [sflag:$0x1] =	stream.indirect_vreg.gather [hbm:s2], $0x80, v0, vm0, $0x38;
	[tilespmem:$0x2040] =	vst v63  }
0x32: {  	s17 =	sadd.s32 $0x400, s17  }
0x33: {  	[tilespmem:s17], [sflag:$0x1] =	stream.indirect_vreg.gather [hbm:s2], $0x80, v0, vm1, $0x38;
	[tilespmem:$0x2040] =	vst v63  }
0x34: {  	p1 =	por $0x0, $0x0;
	s17 =	simm.s32 $0x1  }
0x35: {  	_ =	swait.ge [sflag:s6], $0x1000;
	s13 =	sshll.u32 s13, $0x4  }
0x36: {  	s15 =	simm.s32 $0x80;
	[sflag:s6] =	ssyncset.done $0x0;
	s13 =	sadd.s32 s13, s9  }
0x37: {  	s16 =	sadd.s32 $0x400, s14;
	[sflag:s6] =	ssyncadd.s32 $0xFFFFF000;
	s17 =	sadd.s32 $0x0, s13  }
.LBB2_5:
0x38: {  	[hbm:s17] =	stream.linear.scatter [tilespmem:s14], [sflag:$0x3], $0x400, $0x38;
	[tilespmem:$0x2040] =	vst v63  }
0x39: {  	s17 =	smov.u32 s15;
	s14 =	smov.u32 s16;
	p1 =	sne.s32 s15, $0x180  }
.Ltmp4:
0x3a: {  	s15 =	sadd.s32 $0x80, s15;
	(pc) =	sbr.rel @p1 .LBB2_5-.Ltmp4, $2  }
0x3b: {  	_ =	sdelay $0x2  }
0x3c: {  	s16 =	sadd.s32 $0x400, s16;
	s17 =	sadd.s32 s17, s13  }
.Ltmp5:
0x3d: {  	_ = 	snop;
	(pc) =	sbr.rel .LBB2_6-.Ltmp5, $1  }
0x3e: {  	_ =	sdelay $0x3  }
.LBB2_8:
0x3f: {  	_ =	sfence.sel $0x180000  }
0x40: {  	s2 =	simm.s32 $0x2;
	[bflag:$0x0] =	sbarrier.arrive $0xFFFF  }
0x41: {  	s30 =	simm.s32 $0x3;
	[sflag:s2] =	ssyncpa.u1 $0x1  }
0x42: {  	s31 =	simm.s32 $0x1;
	[sflag:s30] =	ssyncpa.u1 $0x1  }
0x43: {  	[sflag:s31] =	ssyncpa.u1 $0x1  }
0x44: {  	p0 =	sne.s32 s0, $0x0;
	_ =	strace $0x9000004A  }
0x45: {  	s0 =	sadd.s32 @!p0 $0x100000, s1;
	[bflag:$0x2] =	sbarrier.arrive $0xFFFF  }
0x46: {  	[sflag:s0] =	ssyncadd.tile.s32 @!p0 $0x1;
	_ =	shalt  }
.Lfunc_end2:
_tile_overlayer_lowered:
.L_overlay_start_2:
0x47: {  	(tag) =	ssettag $0x2  }
0x48: {  	s0 =	rddreg [dreg:$0x0];
	s2 =	stileid.u32  }
0x49: {  	s1 =	rddreg [dreg:$0x1];
	p0 =	sne.s32 s2, $0x0  }
0x4a: {  	s3 =	rddreg [dreg:$0x2];
	[bflag:$0x3] =	sbarrier.arrive $0xFFFF;
	s2 =	simm.s32 @!p0 $0x1C01  }
0x4b: {  	[timem:s3], [sflag:s2] =	dma.local @!p0 [hbm:s0], s1  }
0x4c: {  	s0 =	simm.s32 @!p0 $0x1  }
0x4d: {  	_ =	swait.ge @!p0 [sflag:s0], s1  }
0x4e: {  	s1 =	ssub.s32 @!p0 $0x0, s1;
	[sflag:s0] =	ssyncset.done @!p0 $0x0  }
0x4f: {  	[sflag:s0] =	ssyncadd.s32 @!p0 s1  }
0x50: {  	[bflag:$0x3] =	sbarrier.arrive $0xFFFF  }
0x51: {  	_ =	shalt  }

// kernel: gather_offload_async_start
scs
__scs_entry_jumppad:
0x0: {  	(pc) =	sbr.rel $0x88, $3  }
0x1: {  	(tag) =	ssettag $0x0;
	lr =	simm.s32 $0x1  }
0x2: {  	[smem:$0x3F9C] =	sst lr;
	_ =	strace $0xD0000000  }
0x3: {  	_ = 	snop  }
0x4: {  	_ = 	snop  }
0x5: {  	_ = 	snop  }
0x6: {  	_ = 	snop  }
0x7: {  	_ = 	snop  }
__scs_overlays_trampoline_lowered:
0x8: {  	[smem:$0x3FAB] =	sst s0  }
0x9: {  	[smem:$0x3FAC] =	sst s1  }
0xa: {  	[smem:$0x3FAD] =	sst s2  }
0xb: {  	[smem:$0x3FAE] =	sst s3  }
0xc: {  	[smem:$0x3FAF] =	sst s4  }
0xd: {  	[smem:$0x3FB0] =	sst s5  }
0xe: {  	[smem:$0x3FB1] =	sst s6  }
0xf: {  	[smem:$0x3FB2] =	sst s7  }
0x10: {  	[smem:$0x3FB3] =	sst s8  }
0x11: {  	[smem:$0x3FB4] =	sst s9;
	s0 =	simm.s32 @!p0 $0x0  }
0x12: {  	s1 =	sld [smem:$0x3F9A];
	s0 =	simm.s32 @p0 $0x1  }
0x13: {  	[smem:$0x3FB5] =	sst s0;
	s0 =	simm.s32 @!p1 $0x0  }
0x14: {  	s2 =	sld [smem:$0x3F99];
	s0 =	simm.s32 @p1 $0x1  }
0x15: {  	[smem:$0x3FB6] =	sst s0;
	s0 =	simm.s32 @!p2 $0x0  }
0x16: {  	s3 =	sld [smem:$0x3FDB];
	s0 =	simm.s32 @p2 $0x1  }
0x17: {  	s4 =	simm.s32 $0x1BF5;
	[smem:$0x3FB8] =	sst s0  }
0x18: {  	s0 =	sld [smem:$0x3F9B];
	_ =	swait.ge [sflag:s4], $0x0  }
0x19: {  	s7 =	sld [smem:$0x3F9C]  }
0x1a: {  	s8 =	sadd.s32 $0xFFFFE003, lr  }
0x1b: {  	s9 =	sadd.s32 $0xFFFFFEF7, lr;
	s5 =	simm.s32 $0xFFFFFFFF;
	p2 =	slt.u32 s8, $0xFFFFF086  }
0x1c: {  	p1 =	slt.u32 s9, $0xF7A;
	s5 =	simm.s32 @!p2 $0x0  }
0x1d: {  	s5 =	simm.s32 @p1 $0x1;
	p0 =	seq.s32 s7, s2  }
0x1e: {  	s7 =	smul.u32 @!p0 $0xF7A, s2;
	p2 =	seq.s32 @!p0 s5, $0x0  }
0x1f: {  	s9 =	smul.u32 $0xF7A, s1;
	s8 =	simm.s32 @!p0 $0x1BF5;
	p2 =	por !p2, p0  }
0x20: {  	[sflag:s8] =	ssyncset.s32 @!p0 $0xFFFFF086;
	s6 =	sadd.s32 @!p0 s3, s7;
	s7 =	simm.s32 @!p0 $0x108  }
0x21: {  	s3 =	sadd.s32 s3, s9;
	s6 =	sadd.s32 @!p0 $0x88, s6;
	s7 =	simm.s32 @p2 $0x1082  }
0x22: {  	[simem:s7], [sflag:s8] =	dma.local @!p0 [hbm:s6], $0xF7A  }
0x23: {  	s9 =	sor.u32 $0xD0000000, s2;
	s6 =	simm.s32 $0x108;
	_ =	swait.ge @!p0 [sflag:s8], $0x0  }
0x24: {  	s3 =	sadd.s32 $0x88, s3;
	s6 =	simm.s32 @!p1 $0x1082;
	[sflag:s4] =	ssyncset.s32 $0xFFFFF086  }
0x25: {  	[simem:s6], [sflag:s4] =	dma.local [hbm:s3], $0xF7A  }
0x26: {  	[smem:$0x3F9C] =	sst s1;
	(tag) =	ssettag s2;
	_ =	strace s9  }
0x27: {  	s1 =	sld [smem:$0x3FAC]  }
0x28: {  	s2 =	sld [smem:$0x3FAD]  }
0x29: {  	s4 =	sld [smem:$0x3FAF]  }
0x2a: {  	p0 =	seq.s32 s5, $0x0;
	s5 =	sld [smem:$0x3FB0]  }
0x2b: {  	s6 =	sld [smem:$0x3FB1]  }
0x2c: {  	s7 =	sld [smem:$0x3FB2]  }
0x2d: {  	s3 =	simm.s32 $0x108;
	s8 =	sld [smem:$0x3FB3]  }
0x2e: {  	s3 =	simm.s32 @!p0 $0x1082;
	s9 =	sld [smem:$0x3FB4]  }
0x2f: {  	lr =	sadd.s32 s0, s3;
	s0 =	sld [smem:$0x3FAB]  }
0x30: {  	s3 =	sld [smem:$0x3FAE]  }
0x31: {  	[smem:$0x3FB7] =	sst s10  }
0x32: {  	s10 =	sld [smem:$0x3FB5];
	_ =	sdelay $0x3  }
0x33: {  	p0 =	seq.s32 s10, $0x1;
	s10 =	sld [smem:$0x3FB7];
	_ =	sdelay $0x3  }
0x34: {  	[smem:$0x3FB7] =	sst s10  }
0x35: {  	s10 =	sld [smem:$0x3FB6];
	_ =	sdelay $0x3  }
0x36: {  	p1 =	seq.s32 s10, $0x1;
	s10 =	sld [smem:$0x3FB7];
	_ =	sdelay $0x3  }
0x37: {  	[smem:$0x3FB7] =	sst s10  }
0x38: {  	s10 =	sld [smem:$0x3FB8]  }
0x39: {  	_ = 	snop;
	(pc) =	sbr.ind lr, $3  }
0x3a: {  	_ = 	snop  }
0x3b: {  	_ = 	snop  }
0x3c: {  	p2 =	seq.s32 s10, $0x1;
	s10 =	sld [smem:$0x3FB7]  }
0x3d: {  	_ =	shalt  }
0x3e: {  	_ =	shalt  }
0x3f: {  	_ =	shalt  }
0x40: {  	_ =	shalt  }
0x41: {  	_ =	shalt  }
0x42: {  	_ =	shalt  }
0x43: {  	_ =	shalt  }
0x44: {  	_ =	shalt  }
0x45: {  	_ =	shalt  }
0x46: {  	_ =	shalt  }
0x47: {  	_ =	shalt  }
0x48: {  	_ =	shalt  }
0x49: {  	_ =	shalt  }
0x4a: {  	_ =	shalt  }
0x4b: {  	_ =	shalt  }
0x4c: {  	_ =	shalt  }
0x4d: {  	_ =	shalt  }
0x4e: {  	_ =	shalt  }
0x4f: {  	_ =	shalt  }
0x50: {  	_ =	shalt  }
0x51: {  	_ =	shalt  }
0x52: {  	_ =	shalt  }
0x53: {  	_ =	shalt  }
0x54: {  	_ =	shalt  }
0x55: {  	_ =	shalt  }
0x56: {  	_ =	shalt  }
0x57: {  	_ =	shalt  }
0x58: {  	_ =	shalt  }
0x59: {  	_ =	shalt  }
0x5a: {  	_ =	shalt  }
0x5b: {  	_ =	shalt  }
0x5c: {  	_ =	shalt  }
0x5d: {  	_ =	shalt  }
0x5e: {  	_ =	shalt  }
0x5f: {  	_ =	shalt  }
0x60: {  	_ =	shalt  }
0x61: {  	_ =	shalt  }
0x62: {  	_ =	shalt  }
0x63: {  	_ =	shalt  }
0x64: {  	_ =	shalt  }
0x65: {  	_ =	shalt  }
0x66: {  	_ =	shalt  }
0x67: {  	_ =	shalt  }
0x68: {  	_ =	shalt  }
0x69: {  	_ =	shalt  }
0x6a: {  	_ =	shalt  }
0x6b: {  	_ =	shalt  }
0x6c: {  	_ =	shalt  }
0x6d: {  	_ =	shalt  }
0x6e: {  	_ =	shalt  }
0x6f: {  	_ =	shalt  }
0x70: {  	_ =	shalt  }
0x71: {  	_ =	shalt  }
0x72: {  	_ =	shalt  }
0x73: {  	_ =	shalt  }
0x74: {  	_ =	shalt  }
0x75: {  	_ =	shalt  }
0x76: {  	_ =	shalt  }
0x77: {  	_ =	shalt  }
0x78: {  	_ =	shalt  }
0x79: {  	_ =	shalt  }
0x7a: {  	_ =	shalt  }
0x7b: {  	_ =	shalt  }
0x7c: {  	_ =	shalt  }
0x7d: {  	_ =	shalt  }
0x7e: {  	_ =	shalt  }
0x7f: {  	_ =	shalt  }
0x80: {  	_ =	shalt  }
0x81: {  	_ =	shalt  }
0x82: {  	_ =	shalt  }
0x83: {  	_ =	shalt  }
0x84: {  	_ =	shalt  }
0x85: {  	_ =	shalt  }
0x86: {  	_ =	shalt  }
0x87: {  	_ =	shalt  }
.Lfunc_end0:
.L_simem_size_0:
called_computation_lowered:
.L_overlay_start_0:
0x88: {  	s2 =	sld [smem:$0x3FD9]  }
0x89: {  	s3 =	sld [smem:$0x3FFE];
	_ =	sdelay $0x1  }
0x8a: {  	s1 =	srdreg.scid  }
0x8b: {  	s0 =	sand.u32 $0x1, s1  }
0x8c: {  	s17 =	sshll.u32 s0, $0xA;
	s2 =	sadd.s32 s3, s2  }
0x8d: {  	s2 =	sadd.s32 s2, s17  }
0x8e: {  	[smem:$0x3FC3] =	sst s2  }
0x8f: {  	_ = 	snop  }
0x90: {  	s2 =	sld [smem:$0x3FD0];
	(tm) =	ssettm $0x1  }
0x91: {  	s18 =	sld [smem:$0x3FFB];
	_ =	sdelay $0x3  }
0x92: {  	_ =	strace s18  }
0x93: {  	s3 =	sld [smem:$0x3FFC];
	_ =	sdelay $0x3  }
0x94: {  	_ =	strace s3  }
0x95: {  	s3 =	sld [smem:$0x3FFD];
	_ =	sdelay $0x3  }
0x96: {  	_ =	strace s3  }
0x97: {  	_ =	strace $0x8FFFFFFF  }
0x98: {  	s19 =	sld [smem:$0x3FDB];
	_ =	sdelay $0x1  }
0x99: {  	s4 =	simm.s32 $_scs_section_size  }
0x9a: {  	s5 =	simm.s32 $_size__tile_overlayer_lowered;
	s6 =	simm.s32 $_tile_overlayer_lowered  }
0x9b: {  	s22 =	simm.s32 $0x1BFF;
	s21 =	sshll.u32 s6, $0x1;
	s3 =	sadd.s32 s4, s19  }
0x9c: {  	s7 =	simm.s32 $0x0;
	s20 =	sshll.u32 s5, $0x1;
	s5 =	sadd.s32 s21, s3  }
0x9d: {  	[timem:s7], [sflag:s22] =	dma.local [hbm:s5], s20  }
0x9e: {  	_ =	swait.ge [sflag:s22], s20  }
0x9f: {  	s4 =	ssub.s32 $0x0, s20;
	[sflag:s22] =	ssyncset.done $0x0  }
0xa0: {  	[sflag:s22] =	ssyncadd.s32 s4;
	_ =	sdelay $0x1  }
0xa1: {  	s23 =	simm.s32 $0x1B8B  }
0xa2: {  	_ =	swait.ge [sflag:s23], $0x1  }
0xa3: {  	[sflag:s23] =	ssyncset.done $0x0  }
0xa4: {  	s25 =	simm.s32 $0x1B8E;
	s24 =	sld [smem:$0x3FFE];
	[sflag:s23] =	ssyncadd.s32 $0xFFFFFFFF  }
0xa5: {  	s26 =	simm.s32 $execute0_lowered;
	[smem:$0x3FD2] =	sst s25  }
0xa6: {  	s5 =	sshll.u32 s26, $0x1;
	_ =	strace $0x80000046;
	[dreg:$0x1] =	wrdreg $0xFFFFFFFF  }
0xa7: {  	s28 =	simm.s32 $_size_execute0_lowered;
	s3 =	sadd.s32 s3, s5;
	[dreg:$0x0] =	wrdreg $0x0  }
0xa8: {  	s5 =	sshll.u32 s28, $0x1;
	[dreg:$0x2] =	wrdreg s3  }
0xa9: {  	[dreg:$0x3] =	wrdreg s5  }
0xaa: {  	[dreg:$0x4] =	wrdreg $0xC0  }
0xab: {  	_ =	task [dreg:s7], $0x5FFFF  }
0xac: {  	[dreg:$0x1] =	wrdreg $0xFFFFFFFF  }
0xad: {  	[dreg:$0x0] =	wrdreg $0x60  }
0xae: {  	[dreg:$0x2] =	wrdreg s24  }
0xaf: {  	[dreg:$0x3] =	wrdreg s2  }
0xb0: {  	[dreg:$0x4] =	wrdreg $0x9  }
0xb1: {  	_ =	task.clear_ibuf [dreg:s7], $0x5FFFF;
	_ =	strace $0x90000046  }
0xb2: {  	s29 =	simm.s32 $0x9;
	_ =	strace $0x80000048  }
0xb3: {  	_ =	swait.ge [sflag:s29], $0x1  }
0xb4: {  	[sflag:s29] =	ssyncadd.s32 $0xFFFFFFFF  }
0xb5: {  	_ =	strace $0x90000048  }
0xb6: {  	_ =	sfence  }
0xb7: {  	s30 =	sld [smem:$0x0];
	_ =	sdelay $0x2  }
0xb8: {  	s31 =	sshll.u32 s1, $0xD;
	s1 =	sshrl.u32 s1, $0x2  }
0xb9: {  	s3 =	sand.u32 $0x4000, s31;
	s1 =	sadd.s32 s1, s30  }
0xba: {  	s0 =	sor.u32 s3, s0;
	s1 =	sshll.u32 s1, $0x11  }
0xbb: {  	s0 =	sor.u32 s1, s0  }
0xbc: {  	s0 =	sadd.s32 $0x8F2B, s0  }
0xbd: {  	[sflag:s0] =	ssyncadd.remote.s32 $0x1  }
0xbe: {  	_ =	sfence.sel $0xFFFF  }
0xbf: {  	[dreg:$0x0] =	wrdreg $0xFFFFFFFF;
	(pc) =	sbr.abs _section_cstart, $3  }
0xc0: {  	[dreg:$0x1] =	wrdreg $0xFFFFFFFF  }
0xc1: {  	_ =	task.clear_ibuf [dreg:s7], $0x2FFFF;
	_ =	strace $0x9FFFFFFF  }
0xc2: {  	(tm) =	ssettm $0x7FFFFFFF  }
0xc3: {  	_ =	shalt  }
tec
execute0_lowered:
.L_overlay_start_1:
0x0: {  	(tag) =	ssettag $0x1  }
0x1: {  	s7 =	rddreg [dreg:$0x0]  }
0x2: {  	s0 =	srdreg.scid;
	s2 =	rddreg [dreg:$0x1]  }
0x3: {  	s1 =	stileid.u32;
	s5 =	simm.s32 $0x2;
	s9 =	simm.s32 $0x3  }
0x4: {  	s3 =	sshll.u32 s0, $0x4;
	s0 =	rddreg [dreg:$0x2];
	_ =	strace $0x80000047  }
.Ltmp0:
0x5: {  	s4 =	sand.u32 $0x10, s3;
	s3 =	simm.s32 $0x1;
	(pc) =	sbr.rel .LBB2_1-.Ltmp0, $4  }
0x6: {  	s12 =	simm.s32 $0x0;
	s4 =	sor.u32 s1, s4;
	[sflag:s3] =	ssyncpa.u1 $0x0  }
0x7: {  	s10 =	simm.s32 $0x0;
	s4 =	smul.u32 $0x160, s4;
	[sflag:s5] =	ssyncpa.u1 $0x0  }
0x8: {  	s6 =	sadd.s32 $0x1C00, s7;
	s7 =	sadd.s32 $0x21800, s7;
	[sflag:s9] =	ssyncpa.u1 $0x0  }
0x9: {  	vm0 =	vmmov $0xff;
	vm1 =	vcmask $0x3F20;
	s9 =	simm.s32 $0x160;
	s8 =	sadd.s32 $0x160, s4;
	s11 =	smov.u32 s4  }
.LBB2_10:
0xa: {  	s12 =	sshrl.u32 s11, $0x3  }
0xb: {  	s13 =	sand.u32 $0x7, s11;
	s12 =	sadd.s32 s7, s12  }
0xc: {  	[tilespmem:s9], [sflag:$0x2] =	stream.linear.gather [hbm4b:s12+s13], $0x160, $0x38;
	[tilespmem:$0x162C0] =	vst v63  }
.LBB2_8:
0xd: {  	s12 =	sadd.s32 $0x160, s11  }
0xe: {  	s13 =	smov.u32 s4;
	p0 =	slt.s32 s12, s8  }
0xf: {  	s13 =	smov.u32 @p0 s12  }
0x10: {  	s10 =	sadd.s32 $0x1, s10;
	s12 =	smov.u32 s11;
	s11 =	smov.u32 s13  }
.LBB2_1:
0x11: {  	p0 =	seq.s32 s10, $0x0  }
.Ltmp1:
0x12: {  	_ = 	snop;
	(pc) =	sbr.rel @p0 .LBB2_10-.Ltmp1, $1  }
0x13: {  	_ =	sdelay $0x3  }
0x14: {  	p0 =	seq.s32 s10, $0x1  }
.Ltmp2:
0x15: {  	_ = 	snop;
	(pc) =	sbr.rel @!p0 .LBB2_9-.Ltmp2, $1  }
0x16: {  	_ =	sdelay $0x3  }
0x17: {  	_ =	swait.ge [sflag:s5], $0x160  }
0x18: {  	[sflag:s5] =	ssyncset.done $0x0  }
0x19: {  	s13 =	simm.s32 $0x0;
	[sflag:s5] =	ssyncadd.s32 $0xFFFFFEA0  }
0x1a: {  	v0 =	vld.msk [tilespmem:s13+$0x160 ss:$0x1], $0xffff;
	_ =	sdelay $0x4  }
0x1b: {  	vm2 =	vgt.s32 v0, $0x0  }
0x1c: {  	v0 =	vnsel vm2, $0x0, v0  }
0x1d: {  	v0 =	vmin.u32 v0, $0x1FBF  }
0x1e: {  	v0 =	vshll.u32 v0, $0x4;
	_ =	sdelay $0x3  }
0x1f: {  	s13 =	simm.s32 $0xB2C0  }
0x20: {  	[tilespmem:s13], [sflag:$0x1] =	stream.indirect_vreg.gather [hbm:s6], $0x80, v0, vm0, $0x38;
	[tilespmem:$0x162C0] =	vst v63  }
0x21: {  	s14 =	simm.s32 $0xB6C0;
	s31 =	simm.s32 $0x10  }
0x22: {  	[tilespmem:s14], [sflag:$0x1] =	stream.indirect_vreg.gather [hbm:s6], $0x80, v0, vm1, $0x38;
	[tilespmem:$0x162C0] =	vst v63  }
0x23: {  	s14 =	simm.s32 $0x80;
	v0 =	vld.msk [tilespmem:s31+$0x160 ss:$0x1], $0xffff  }
.LBB2_4:
0x24: {  	p0 =	sne.s32 s14, $0x540;
	_ =	sdelay $0x4  }
0x25: {  	vm2 =	vgt.s32 v0, $0x0  }
0x26: {  	v0 =	vnsel vm2, $0x0, v0  }
0x27: {  	v0 =	vmin.u32 v0, $0x1FBF  }
0x28: {  	v0 =	vshll.u32 v0, $0x4;
	_ =	sdelay $0x3  }
.Ltmp3:
0x29: {  	s13 =	sadd.s32 $0x800, s13;
	(pc) =	sbr.rel @p0 .LBB2_4-.Ltmp3, $4  }
0x2a: {  	[tilespmem:s13], [sflag:$0x1] =	stream.indirect_vreg.gather [hbm:s6], $0x80, v0, vm0, $0x38;
	[tilespmem:$0x162C0] =	vst v63  }
0x2b: {  	s15 =	sshra.s32 s14, $0x2;
	s16 =	sadd.s32 $0x400, s13  }
0x2c: {  	[tilespmem:s16], [sflag:$0x1] =	stream.indirect_vreg.gather [hbm:s6], $0x80, v0, vm1, $0x38;
	[tilespmem:$0x162C0] =	vst v63  }
0x2d: {  	s14 =	sadd.s32 $0x40, s14;
	v0 =	vld.msk [tilespmem:s15+$0x160 ss:$0x1], $0xffff  }
0x2e: {  	_ =	sdelay $0x3  }
0x2f: {  	vm2 =	vgt.s32 v0, $0x0  }
0x30: {  	v0 =	vnsel vm2, $0x0, v0  }
0x31: {  	v0 =	vmin.u32 v0, $0x1FBF  }
0x32: {  	v0 =	vshll.u32 v0, $0x4;
	_ =	sdelay $0x3  }
0x33: {  	s13 =	sadd.s32 $0x800, s13  }
0x34: {  	[tilespmem:s13], [sflag:$0x1] =	stream.indirect_vreg.gather [hbm:s6], $0x80, v0, vm0, $0x38;
	[tilespmem:$0x162C0] =	vst v63  }
0x35: {  	s13 =	sadd.s32 $0x400, s13  }
0x36: {  	[tilespmem:s13], [sflag:$0x1] =	stream.indirect_vreg.gather [hbm:s6], $0x80, v0, vm1, $0x38;
	[tilespmem:$0x162C0] =	vst v63  }
0x37: {  	s12 =	sshll.u32 s12, $0x4;
	s14 =	simm.s32 $0x80;
	_ =	swait.ge [sflag:s3], $0xB000  }
0x38: {  	s15 =	simm.s32 $0xB6C0;
	s12 =	sadd.s32 s12, s2;
	[sflag:s3] =	ssyncset.done $0x0  }
0x39: {  	s16 =	sadd.s32 $0x0, s12;
	s13 =	simm.s32 $0xB2C0;
	[sflag:s3] =	ssyncadd.s32 $0xFFFF5000  }
.LBB2_6:
0x3a: {  	[hbm:s16] =	stream.linear.scatter [tilespmem:s13], [sflag:$0x3], $0x400, $0x38;
	[tilespmem:$0x162C0] =	vst v63  }
0x3b: {  	s16 =	smov.u32 s14;
	s13 =	smov.u32 s15;
	p0 =	seq.s32 s14, $0x1580  }
.Ltmp4:
0x3c: {  	s14 =	sadd.s32 $0x80, s14;
	(pc) =	sbr.rel @!p0 .LBB2_6-.Ltmp4, $2  }
0x3d: {  	_ =	sdelay $0x2  }
0x3e: {  	s15 =	sadd.s32 $0x400, s15;
	s16 =	sadd.s32 s16, s12  }
.Ltmp5:
0x3f: {  	(pc) =	sbr.rel .LBB2_8-.Ltmp5, $2  }
0x40: {  	_ =	sdelay $0x2  }
0x41: {  	[hbm:s16] =	stream.linear.scatter [tilespmem:s13], [sflag:$0x3], $0x400, $0x38;
	[tilespmem:$0x162C0] =	vst v63  }
.LBB2_9:
0x42: {  	s2 =	simm.s32 $0x3  }
0x43: {  	_ =	swait.ge [sflag:s2], $0xB000  }
0x44: {  	[sflag:s2] =	ssyncset.done $0x0  }
0x45: {  	[sflag:s2] =	ssyncadd.s32 $0xFFFF5000  }
0x46: {  	_ =	sfence.sel $0x180000  }
0x47: {  	s3 =	simm.s32 $0x2;
	[bflag:$0x0] =	sbarrier.arrive $0xFFFF  }
0x48: {  	[sflag:s3] =	ssyncpa.u1 $0x1  }
0x49: {  	s31 =	simm.s32 $0x1;
	[sflag:s2] =	ssyncpa.u1 $0x1  }
0x4a: {  	[sflag:s31] =	ssyncpa.u1 $0x1  }
0x4b: {  	p0 =	sne.s32 s1, $0x0;
	_ =	strace $0x90000047  }
0x4c: {  	s0 =	sadd.s32 @!p0 $0x100000, s0;
	[bflag:$0x2] =	sbarrier.arrive $0xFFFF  }
0x4d: {  	[sflag:s0] =	ssyncadd.tile.s32 @!p0 $0x1;
	_ =	shalt  }
.Lfunc_end2:
_tile_overlayer_lowered:
.L_overlay_start_2:
0x4e: {  	(tag) =	ssettag $0x2  }
0x4f: {  	s0 =	rddreg [dreg:$0x0];
	s2 =	stileid.u32  }
0x50: {  	s1 =	rddreg [dreg:$0x1];
	p0 =	sne.s32 s2, $0x0  }
0x51: {  	s3 =	rddreg [dreg:$0x2];
	[bflag:$0x3] =	sbarrier.arrive $0xFFFF;
	s2 =	simm.s32 @!p0 $0x1C01  }
0x52: {  	[timem:s3], [sflag:s2] =	dma.local @!p0 [hbm:s0], s1  }
0x53: {  	s0 =	simm.s32 @!p0 $0x1  }
0x54: {  	_ =	swait.ge @!p0 [sflag:s0], s1  }
0x55: {  	s1 =	ssub.s32 @!p0 $0x0, s1;
	[sflag:s0] =	ssyncset.done @!p0 $0x0  }
0x56: {  	[sflag:s0] =	ssyncadd.s32 @!p0 s1  }
0x57: {  	[bflag:$0x3] =	sbarrier.arrive $0xFFFF  }
0x58: {  	_ =	shalt  }

</sc_bundles>
